<compile_context>
chip_gen: v7x
topology: tpu7x:2x2x1
jax: 0.10.2.dev20260603
libtpu: 0.0.44.dev20260713+nightly
codegen_flags: <defaults>
</compile_context>

<pallas_src>
import functools

import jax
import jax.numpy as jnp
from jax import lax
from jax.experimental import pallas as pl
from jax.experimental.pallas import tpu as pltpu
from jax.experimental.pallas import tpu_sc as plsc


def _make_sc_gather(N, D, chunk):
    info = plsc.get_sparse_core_info()
    NC, NS = info.num_cores, info.num_subcores
    NW = NC * NS
    b_per_w = N // NW
    n_chunks = b_per_w // chunk
    mesh = plsc.VectorSubcoreMesh(core_axis_name="c", subcore_axis_name="s")

    @functools.partial(
        pl.kernel,
        mesh=mesh,
        out_type=jax.ShapeDtypeStruct((N, D), jnp.float32),
        scratch_types=[
            pltpu.VMEM((chunk,), jnp.int32),
            pltpu.VMEM((chunk, D), jnp.float32),
            pltpu.SemaphoreType.DMA,
        ],
        compiler_params=pltpu.CompilerParams(use_tc_tiling_on_sc=False),
    )
    def gather_kernel(table_hbm, idx_hbm, out_hbm, idx_v, rows_v, sem):
        wid = lax.axis_index("s") * NC + lax.axis_index("c")
        base = wid * b_per_w

        def body(j, carry):
            off = pl.multiple_of(base + j * chunk, chunk)
            pltpu.sync_copy(idx_hbm.at[pl.ds(off, chunk)], idx_v)
            pltpu.async_copy(table_hbm.at[idx_v], rows_v, sem).wait()
            pltpu.sync_copy(rows_v, out_hbm.at[pl.ds(off, chunk)])
            return carry

        lax.fori_loop(0, n_chunks, body, 0)

    return gather_kernel


def _dense_body(g4_ref, side_ref, w1b_ref, b1b_ref, mb_ref, ctb_ref,
                bab_ref, wnb_ref, w2b_ref, bf2b_ref, o_ref):
    R = g4_ref.shape[0]
    g4 = g4_ref[...]
    side = side_ref[...]
    coords = side[:, 0:8]
    hp = jnp.maximum(
        jnp.dot(coords, w1b_ref[...], preferred_element_type=jnp.float32)
        + b1b_ref[...], 0.0)
    patt = (lax.broadcasted_iota(jnp.int32, (R, 32), 1) & 7).astype(jnp.float32)
    ohp = (side[:, 8:40] == patt).astype(jnp.float32)
    s4 = (jnp.dot(hp, mb_ref[...], preferred_element_type=jnp.float32)
          + jnp.dot(ohp, ctb_ref[...], preferred_element_type=jnp.float32)
          + bab_ref[...])
    a4 = jnp.maximum(
        jnp.dot(g4, wnb_ref[...], preferred_element_type=jnp.float32) + s4,
        0.0)
    o_ref[...] = (jnp.dot(a4, w2b_ref[...], preferred_element_type=jnp.float32)
                  + bf2b_ref[...])


def kernel(node_ids, spatial_coords, categories, node_table, cat_table,
           W1, b1, W2, b2, Wf1, bf1, Wf2, bf2):
    B, L = node_ids.shape
    V, D = node_table.shape
    N = B * L
    f32 = jnp.float32

    ids = node_ids.reshape(N)
    cats_rep = jnp.repeat(
        categories.reshape(N // 4, 4).astype(f32), 8, axis=1)
    side = jnp.concatenate(
        [spatial_coords.reshape(N // 4, 8), cats_rep], axis=1)

    W1t = W1.T
    Wnt = Wf1[:, :D].T
    Wsp = Wf1[:, D:D + D // 4]
    Mt = W2.T @ Wsp.T
    bias_a = (bf1 + Wsp @ b2).reshape(1, D)
    Ct = cat_table @ Wf1[:, D + D // 4:].T
    Ctp = jnp.concatenate([Ct, jnp.zeros((1, D), f32)], axis=0)
    Wf2t = Wf2.T

    def blkdiag4(m):
        k, n = m.shape
        out = jnp.zeros((4 * k, 4 * n), f32)
        for s in range(4):
            out = out.at[s * k:(s + 1) * k, s * n:(s + 1) * n].set(m)
        return out

    W1blk = blkdiag4(W1t)
    b1blk = jnp.tile(b1.reshape(1, -1), (1, 4))
    Mblk = blkdiag4(Mt)
    Ctblk = blkdiag4(Ctp)
    bab = jnp.tile(bias_a, (1, 4))
    Wnblk = blkdiag4(Wnt)
    Wf2blk = blkdiag4(Wf2t)
    bf2blk = jnp.tile(bf2.reshape(1, D), (1, 4))

    g = _make_sc_gather(N, D, 128)(node_table, ids)
    g4 = g.reshape(N // 4, 128)

    R = 1024
    NG = (N // 4) // R

    out4 = pl.pallas_call(
        _dense_body,
        grid=(NG,),
        in_specs=[
            pl.BlockSpec((R, 128), lambda i: (i, 0)),
            pl.BlockSpec((R, 40), lambda i: (i, 0)),
            pl.BlockSpec((8, 32), lambda i: (0, 0)),
            pl.BlockSpec((1, 32), lambda i: (0, 0)),
            pl.BlockSpec((32, 128), lambda i: (0, 0)),
            pl.BlockSpec((32, 128), lambda i: (0, 0)),
            pl.BlockSpec((1, 128), lambda i: (0, 0)),
            pl.BlockSpec((128, 128), lambda i: (0, 0)),
            pl.BlockSpec((128, 128), lambda i: (0, 0)),
            pl.BlockSpec((1, 128), lambda i: (0, 0)),
        ],
        out_specs=pl.BlockSpec((R, 128), lambda i: (i, 0)),
        out_shape=jax.ShapeDtypeStruct((N // 4, 128), f32),
    )(g4, side, W1blk, b1blk, Mblk, Ctblk, bab, Wnblk, Wf2blk, bf2blk)

    return out4.reshape(B, L, D)

# --- scband reference (transcript-rebuilt; emitter-appended) ---
"""Pipeline reference for scband-node2-vec-embedding-42485816492122 (READ-ONLY COPY).

The authoritative reference and input builder live on the scoring server;
editing this copy changes nothing except your own understanding.
"""

import jax, jax.numpy as jnp
import numpy as np

B, L, V, D, C = 4096, 200, 1000000, 32, 7

def setup_inputs(seed: int = 0) -> dict:
    key = jax.random.key(seed)
    ks = jax.random.split(key, 9)
    node_ids = jax.random.randint(ks[0], (B, L), 0, V)
    spatial_coords = jax.random.normal(ks[1], (B, L, 2), dtype=jnp.float32)
    categories = jax.random.randint(ks[2], (B, L), 0, C)
    node_table = (jax.random.normal(ks[3], (V, D), dtype=jnp.float32) * 0.02).at[0].set(0.0)
    cat_table = jax.random.normal(ks[4], (C, D // 2), dtype=jnp.float32) * 0.02
    W1 = jax.random.normal(ks[5], (D // 4, 2), dtype=jnp.float32) * 0.1
    b1 = jnp.zeros((D // 4,), dtype=jnp.float32)
    W2 = jax.random.normal(ks[6], (D // 4, D // 4), dtype=jnp.float32) * 0.1
    b2 = jnp.zeros((D // 4,), dtype=jnp.float32)
    fin = D + D // 2 + D // 4
    Wf1 = jax.random.normal(ks[7], (D, fin), dtype=jnp.float32) * 0.1
    bf1 = jnp.zeros((D,), dtype=jnp.float32)
    Wf2 = jax.random.normal(ks[8], (D, D), dtype=jnp.float32) * 0.1
    bf2 = jnp.zeros((D,), dtype=jnp.float32)
    return {"node_ids": node_ids, "spatial_coords": spatial_coords, "categories": categories,
            "node_table": node_table, "cat_table": cat_table,
            "W1": W1, "b1": b1, "W2": W2, "b2": b2,
            "Wf1": Wf1, "bf1": bf1, "Wf2": Wf2, "bf2": bf2}

def reference(node_ids, spatial_coords, categories, node_table, cat_table, W1, b1, W2, b2, Wf1, bf1, Wf2, bf2):
    b, l = node_ids.shape
    # padding_idx=0 -> row 0 of the node table is zero
    tbl = node_table.at[0].set(0.0)
    node_emb = jnp.take(tbl, node_ids, axis=0)                     # (B, L, D)
    flat = spatial_coords.reshape(-1, 2)
    h = jax.nn.relu(flat @ W1.T + b1)                              # dropout = identity (eval)
    spatial_emb = (h @ W2.T + b2).reshape(b, l, -1)                # (B, L, D//4)
    cat_emb = jnp.take(cat_table, categories, axis=0)              # (B, L, D//2)
    combined = jnp.concatenate([node_emb, spatial_emb, cat_emb], axis=-1)
    fh = jax.nn.relu(combined @ Wf1.T + bf1)                       # dropout = identity (eval)
    fused = fh @ Wf2.T + bf2                                       # (B, L, D)
    return fused

if __name__ == "__main__":
    import jax
    _d = setup_inputs()
    print(jax.jit(kernel)(*tuple(_d.values())))

</pallas_src>

<mosaic_0001>
#map = affine_map<(d0, d1) -> (0, 0)>
#map1 = affine_map<(d0, d1) -> (0)>
module attributes {stable_mosaic.version = 14 : i64} {
  func.func @gather_kernel(%arg0: i32, %arg1: i32, %arg2: memref<1000000x32xf32, #tpu.memory_space<hbm>>, %arg3: memref<819200xi32, #tpu.memory_space<hbm>>, %arg4: memref<819200x32xf32, #tpu.memory_space<hbm>>, %arg5: memref<128xi32, #tpu.memory_space<vmem>>, %arg6: memref<128x32xf32, #tpu.memory_space<vmem>>, %arg7: memref<!tpu.dma_semaphore, #tpu.memory_space<semaphore_mem>>) attributes {dimension_semantics = [#tpu.dimension_semantics<core_parallel>, #tpu.dimension_semantics<subcore_parallel>], iteration_bounds = array<i64: 2, 16>, scalar_prefetch = 0 : i64, scratch_operands = 3 : i64, tpu.core_type = #tpu.core_type<sc_vector_subcore>, window_params = [{transform_indices = #map}, {transform_indices = #map1}, {transform_indices = #map}]} {
    %mul3A = arith.constant 2 : i32
    %mul3A_0 = arith.muli %arg1, %mul3A : i32
    %add3A = arith.addi %mul3A_0, %arg0 : i32
    %mul3A_1 = arith.constant 25600 : i32
    %mul3A_2 = arith.muli %add3A, %mul3A_1 : i32
    %scan3A = arith.constant 0 : i32
    %scan3A_3 = arith.constant 0 : i32
    %scan3A_4 = arith.constant 200 : i32
    %scan3A_5 = arith.addi %scan3A_3, %scan3A_4 : i32
    %scan3A_6 = arith.constant 1 : i32
    scf.for %scan3A_8 = %scan3A_3 to %scan3A_5 step %scan3A_6  : i32 {
      %mul3A_9 = arith.constant 128 : i32
      %mul3A_10 = arith.muli %scan3A_8, %mul3A_9 : i32
      %add3A_11 = arith.addi %mul3A_2, %mul3A_10 : i32
      %multiple_of3A = tpu.assume_multiple %add3A_11, 128 : i32
      "tpu.region"() ({
        %run_scoped3A = tpu.sem_alloc : memref<!tpu.dma_semaphore, #tpu.memory_space<semaphore_mem>>
        %dma_start3A_16 = tpu.memref_slice %arg3[%multiple_of3A] : memref<819200xi32, #tpu.memory_space<hbm>> -> memref<128xi32, #tpu.memory_space<hbm>>
        %dma_start3A_17 = tpu.memref_slice %arg3[%multiple_of3A] : memref<819200xi32, #tpu.memory_space<hbm>> -> memref<128xi32, #tpu.memory_space<hbm>>
        tpu.enqueue_dma source(%dma_start3A_17 : memref<128xi32, #tpu.memory_space<hbm>>) target(%arg5 : memref<128xi32, #tpu.memory_space<vmem>>) target_semaphore(%run_scoped3A : memref<!tpu.dma_semaphore, #tpu.memory_space<semaphore_mem>>)
        %dma_wait3A_18 = tpu.memref_slice %arg3[%multiple_of3A] : memref<819200xi32, #tpu.memory_space<hbm>> -> memref<128xi32, #tpu.memory_space<hbm>>
        %dma_wait3A_19 = tpu.memref_slice %arg3[%multiple_of3A] : memref<819200xi32, #tpu.memory_space<hbm>> -> memref<128xi32, #tpu.memory_space<hbm>>
        tpu.wait_dma2 semaphore(%run_scoped3A : memref<!tpu.dma_semaphore, #tpu.memory_space<semaphore_mem>>) src(%dma_wait3A_19 : memref<128xi32, #tpu.memory_space<hbm>>) dst(%arg5 : memref<128xi32, #tpu.memory_space<vmem>>)
        tpu.yield
      }) : () -> ()
      %dma_start3A = arith.constant 0 : i32
      %dma_start3A_12 = arith.constant 0 : i32
      %dma_start3A_13 = tpu.memref_slice %arg2[%dma_start3A, %dma_start3A_12] : memref<1000000x32xf32, #tpu.memory_space<hbm>> -> memref<1000000x32xf32, #tpu.memory_space<hbm>>
      tpu.enqueue_indirect_dma source(%dma_start3A_13 : memref<1000000x32xf32, #tpu.memory_space<hbm>>) target(%arg6 : memref<128x32xf32, #tpu.memory_space<vmem>>) offsets(%arg5 : memref<128xi32, #tpu.memory_space<vmem>>) semaphore(%arg7 : memref<!tpu.dma_semaphore, #tpu.memory_space<semaphore_mem>>)
      %dma_wait3A = arith.constant 0 : i32
      %dma_wait3A_14 = arith.constant 0 : i32
      %dma_wait3A_15 = tpu.memref_slice %arg2[%dma_wait3A, %dma_wait3A_14] : memref<1000000x32xf32, #tpu.memory_space<hbm>> -> memref<1000000x32xf32, #tpu.memory_space<hbm>>
      tpu.wait_indirect_dma semaphore(%arg7 : memref<!tpu.dma_semaphore, #tpu.memory_space<semaphore_mem>>) src(%dma_wait3A_15 : memref<1000000x32xf32, #tpu.memory_space<hbm>>) dst(%arg6 : memref<128x32xf32, #tpu.memory_space<vmem>>)
      "tpu.region"() ({
        %run_scoped3A = tpu.sem_alloc : memref<!tpu.dma_semaphore, #tpu.memory_space<semaphore_mem>>
        %dma_start3A_16 = arith.constant 0 : i32
        %dma_start3A_17 = tpu.memref_slice %arg4[%multiple_of3A, %dma_start3A_16] : memref<819200x32xf32, #tpu.memory_space<hbm>> -> memref<128x32xf32, #tpu.memory_space<hbm>>
        %dma_start3A_18 = arith.constant 0 : i32
        %dma_start3A_19 = tpu.memref_slice %arg4[%multiple_of3A, %dma_start3A_18] : memref<819200x32xf32, #tpu.memory_space<hbm>> -> memref<128x32xf32, #tpu.memory_space<hbm>>
        tpu.enqueue_dma source(%arg6 : memref<128x32xf32, #tpu.memory_space<vmem>>) target(%dma_start3A_19 : memref<128x32xf32, #tpu.memory_space<hbm>>) target_semaphore(%run_scoped3A : memref<!tpu.dma_semaphore, #tpu.memory_space<semaphore_mem>>)
        %dma_wait3A_20 = arith.constant 0 : i32
        %dma_wait3A_21 = tpu.memref_slice %arg4[%multiple_of3A, %dma_wait3A_20] : memref<819200x32xf32, #tpu.memory_space<hbm>> -> memref<128x32xf32, #tpu.memory_space<hbm>>
        %dma_wait3A_22 = arith.constant 0 : i32
        %dma_wait3A_23 = tpu.memref_slice %arg4[%multiple_of3A, %dma_wait3A_22] : memref<819200x32xf32, #tpu.memory_space<hbm>> -> memref<128x32xf32, #tpu.memory_space<hbm>>
        tpu.wait_dma2 semaphore(%run_scoped3A : memref<!tpu.dma_semaphore, #tpu.memory_space<semaphore_mem>>) src(%arg6 : memref<128x32xf32, #tpu.memory_space<vmem>>) dst(%dma_wait3A_23 : memref<128x32xf32, #tpu.memory_space<hbm>>)
        tpu.yield
      }) : () -> ()
    }
    %scan3A_7 = arith.constant 200 : i32
    return
  }
}

module attributes {stable_mosaic.version = 14 : i64} {
  func.func @_dense_body(%arg0: i32, %arg1: memref<1024x128xf32, #tpu.memory_space<vmem>>, %arg2: memref<1024x40xf32, #tpu.memory_space<vmem>>, %arg3: memref<8x32xf32, #tpu.memory_space<vmem>>, %arg4: memref<1x32xf32, #tpu.memory_space<vmem>>, %arg5: memref<32x128xf32, #tpu.memory_space<vmem>>, %arg6: memref<32x128xf32, #tpu.memory_space<vmem>>, %arg7: memref<1x128xf32, #tpu.memory_space<vmem>>, %arg8: memref<128x128xf32, #tpu.memory_space<vmem>>, %arg9: memref<128x128xf32, #tpu.memory_space<vmem>>, %arg10: memref<1x128xf32, #tpu.memory_space<vmem>>, %arg11: memref<1024x128xf32, #tpu.memory_space<vmem>>) attributes {dimension_semantics = [#tpu.dimension_semantics<arbitrary>], iteration_bounds = array<i64: 200>, scalar_prefetch = 0 : i64, scratch_operands = 0 : i64, tpu.core_type = #tpu.core_type<tc>, window_params = [{transform_indices = @transform_0, window_bounds = array<i64: 1024, 128>}, {transform_indices = @transform_1, window_bounds = array<i64: 1024, 40>}, {pipeline_mode = #tpu.pipeline_mode<synchronous>, transform_indices = @transform_2, window_bounds = array<i64: 8, 32>}, {pipeline_mode = #tpu.pipeline_mode<synchronous>, transform_indices = @transform_3, window_bounds = array<i64: 1, 32>}, {pipeline_mode = #tpu.pipeline_mode<synchronous>, transform_indices = @transform_4, window_bounds = array<i64: 32, 128>}, {pipeline_mode = #tpu.pipeline_mode<synchronous>, transform_indices = @transform_5, window_bounds = array<i64: 32, 128>}, {pipeline_mode = #tpu.pipeline_mode<synchronous>, transform_indices = @transform_6, window_bounds = array<i64: 1, 128>}, {pipeline_mode = #tpu.pipeline_mode<synchronous>, transform_indices = @transform_7, window_bounds = array<i64: 128, 128>}, {pipeline_mode = #tpu.pipeline_mode<synchronous>, transform_indices = @transform_8, window_bounds = array<i64: 128, 128>}, {pipeline_mode = #tpu.pipeline_mode<synchronous>, transform_indices = @transform_9, window_bounds = array<i64: 1, 128>}, {transform_indices = @transform_10, window_bounds = array<i64: 1024, 128>}]} {
    %get3A = arith.constant 0 : index
    %get3A_0 = arith.constant 0 : index
    %get3A_1 = vector.load %arg1[%get3A, %get3A_0] : memref<1024x128xf32, #tpu.memory_space<vmem>>, vector<1024x128xf32>
    %get3A_2 = arith.constant 0 : index
    %get3A_3 = arith.constant 0 : index
    %get3A_4 = vector.load %arg2[%get3A_2, %get3A_3] : memref<1024x40xf32, #tpu.memory_space<vmem>>, vector<1024x40xf32>
    %slice3A = vector.extract_strided_slice %get3A_4 {offsets = [0, 0], sizes = [1024, 8], strides = [1, 1]} : vector<1024x40xf32> to vector<1024x8xf32>
    %get3A_5 = arith.constant 0 : index
    %get3A_6 = arith.constant 0 : index
    %get3A_7 = vector.load %arg3[%get3A_5, %get3A_6] : memref<8x32xf32, #tpu.memory_space<vmem>>, vector<8x32xf32>
    %dot_general3A = arith.constant dense<0.000000e+00> : vector<1024x32xf32>
    %dot_general3A_8 = tpu.matmul %slice3A, %get3A_7, %dot_general3A {dimension_numbers = #tpu.dot_dimension_numbers<[1], [0], [0], [1], [0, 0, 1, 1], [], []>, transpose_lhs_hint = false} : vector<1024x8xf32>, vector<8x32xf32>, vector<1024x32xf32> -> vector<1024x32xf32>
    %get3A_9 = arith.constant 0 : index
    %get3A_10 = arith.constant 0 : index
    %get3A_11 = vector.load %arg4[%get3A_9, %get3A_10] : memref<1x32xf32, #tpu.memory_space<vmem>>, vector<1x32xf32>
    %add3A = vector.broadcast %get3A_11 : vector<1x32xf32> to vector<1024x32xf32>
    %add3A_12 = arith.addf %dot_general3A_8, %add3A : vector<1024x32xf32>
    %max3A = arith.constant 0.000000e+00 : f32
    %max3A_13 = vector.broadcast %max3A : f32 to vector<1024x32xf32>
    %max3A_14 = arith.maximumf %add3A_12, %max3A_13 : vector<1024x32xf32>
    %iota3A = tpu.iota {dimensions = array<i32: 1>} : vector<1024x32xi32>
    %and3A = arith.constant 7 : i32
    %and3A_15 = vector.broadcast %and3A : i32 to vector<1024x32xi32>
    %and3A_16 = arith.andi %iota3A, %and3A_15 : vector<1024x32xi32>
    %convert_element_type3A = arith.sitofp %and3A_16 : vector<1024x32xi32> to vector<1024x32xf32>
    %slice3A_17 = vector.extract_strided_slice %get3A_4 {offsets = [0, 8], sizes = [1024, 32], strides = [1, 1]} : vector<1024x40xf32> to vector<1024x32xf32>
    %eq3A = arith.cmpf oeq, %slice3A_17, %convert_element_type3A : vector<1024x32xf32>
    %convert_element_type3A_18 = arith.extui %eq3A : vector<1024x32xi1> to vector<1024x32xi32>
    %convert_element_type3A_19 = arith.sitofp %convert_element_type3A_18 : vector<1024x32xi32> to vector<1024x32xf32>
    %get3A_20 = arith.constant 0 : index
    %get3A_21 = arith.constant 0 : index
    %get3A_22 = vector.load %arg5[%get3A_20, %get3A_21] : memref<32x128xf32, #tpu.memory_space<vmem>>, vector<32x128xf32>
    %dot_general3A_23 = arith.constant dense<0.000000e+00> : vector<1024x128xf32>
    %dot_general3A_24 = tpu.matmul %max3A_14, %get3A_22, %dot_general3A_23 {dimension_numbers = #tpu.dot_dimension_numbers<[1], [0], [0], [1], [0, 0, 1, 1], [], []>, transpose_lhs_hint = false} : vector<1024x32xf32>, vector<32x128xf32>, vector<1024x128xf32> -> vector<1024x128xf32>
    %get3A_25 = arith.constant 0 : index
    %get3A_26 = arith.constant 0 : index
    %get3A_27 = vector.load %arg6[%get3A_25, %get3A_26] : memref<32x128xf32, #tpu.memory_space<vmem>>, vector<32x128xf32>
    %dot_general3A_28 = arith.constant dense<0.000000e+00> : vector<1024x128xf32>
    %dot_general3A_29 = tpu.matmul %convert_element_type3A_19, %get3A_27, %dot_general3A_28 {dimension_numbers = #tpu.dot_dimension_numbers<[1], [0], [0], [1], [0, 0, 1, 1], [], []>, transpose_lhs_hint = false} : vector<1024x32xf32>, vector<32x128xf32>, vector<1024x128xf32> -> vector<1024x128xf32>
    %add3A_30 = arith.addf %dot_general3A_24, %dot_general3A_29 : vector<1024x128xf32>
    %get3A_31 = arith.constant 0 : index
    %get3A_32 = arith.constant 0 : index
    %get3A_33 = vector.load %arg7[%get3A_31, %get3A_32] : memref<1x128xf32, #tpu.memory_space<vmem>>, vector<1x128xf32>
    %add3A_34 = vector.broadcast %get3A_33 : vector<1x128xf32> to vector<1024x128xf32>
    %add3A_35 = arith.addf %add3A_30, %add3A_34 : vector<1024x128xf32>
    %get3A_36 = arith.constant 0 : index
    %get3A_37 = arith.constant 0 : index
    %get3A_38 = vector.load %arg8[%get3A_36, %get3A_37] : memref<128x128xf32, #tpu.memory_space<vmem>>, vector<128x128xf32>
    %dot_general3A_39 = arith.constant dense<0.000000e+00> : vector<1024x128xf32>
    %dot_general3A_40 = tpu.matmul %get3A_1, %get3A_38, %dot_general3A_39 {dimension_numbers = #tpu.dot_dimension_numbers<[1], [0], [0], [1], [0, 0, 1, 1], [], []>, transpose_lhs_hint = false} : vector<1024x128xf32>, vector<128x128xf32>, vector<1024x128xf32> -> vector<1024x128xf32>
    %add3A_41 = arith.addf %dot_general3A_40, %add3A_35 : vector<1024x128xf32>
    %max3A_42 = arith.constant 0.000000e+00 : f32
    %max3A_43 = vector.broadcast %max3A_42 : f32 to vector<1024x128xf32>
    %max3A_44 = arith.maximumf %add3A_41, %max3A_43 : vector<1024x128xf32>
    %get3A_45 = arith.constant 0 : index
    %get3A_46 = arith.constant 0 : index
    %get3A_47 = vector.load %arg9[%get3A_45, %get3A_46] : memref<128x128xf32, #tpu.memory_space<vmem>>, vector<128x128xf32>
    %dot_general3A_48 = arith.constant dense<0.000000e+00> : vector<1024x128xf32>
    %dot_general3A_49 = tpu.matmul %max3A_44, %get3A_47, %dot_general3A_48 {dimension_numbers = #tpu.dot_dimension_numbers<[1], [0], [0], [1], [0, 0, 1, 1], [], []>, transpose_lhs_hint = false} : vector<1024x128xf32>, vector<128x128xf32>, vector<1024x128xf32> -> vector<1024x128xf32>
    %get3A_50 = arith.constant 0 : index
    %get3A_51 = arith.constant 0 : index
    %get3A_52 = vector.load %arg10[%get3A_50, %get3A_51] : memref<1x128xf32, #tpu.memory_space<vmem>>, vector<1x128xf32>
    %add3A_53 = vector.broadcast %get3A_52 : vector<1x128xf32> to vector<1024x128xf32>
    %add3A_54 = arith.addf %dot_general3A_49, %add3A_53 : vector<1024x128xf32>
    %swap3A = arith.constant 0 : index
    %swap3A_55 = arith.constant 0 : index
    %swap3A_56 = vector.load %arg11[%swap3A, %swap3A_55] : memref<1024x128xf32, #tpu.memory_space<vmem>>, vector<1024x128xf32>
    tpu.vector_store %arg11[%swap3A, %swap3A_55], %add3A_54 {strides = array<i32>} : memref<1024x128xf32, #tpu.memory_space<vmem>>, vector<1024x128xf32>,
    return
  }
  func.func @transform_0(%arg0: i32) -> (i32, i32) {
    %c0_i32 = arith.constant 0 : i32
    %c0_i32_0 = arith.constant 0 : i32
    return %arg0, %c0_i32 : i32, i32
  }
  func.func @transform_1(%arg0: i32) -> (i32, i32) {
    %c0_i32 = arith.constant 0 : i32
    %c0_i32_0 = arith.constant 0 : i32
    return %arg0, %c0_i32 : i32, i32
  }
  func.func @transform_2(%arg0: i32) -> (i32, i32) {
    %c0_i32 = arith.constant 0 : i32
    %c0_i32_0 = arith.constant 0 : i32
    %c0_i32_1 = arith.constant 0 : i32
    return %c0_i32, %c0_i32_0 : i32, i32
  }
  func.func @transform_3(%arg0: i32) -> (i32, i32) {
    %c0_i32 = arith.constant 0 : i32
    %c0_i32_0 = arith.constant 0 : i32
    %c0_i32_1 = arith.constant 0 : i32
    return %c0_i32, %c0_i32_0 : i32, i32
  }
  func.func @transform_4(%arg0: i32) -> (i32, i32) {
    %c0_i32 = arith.constant 0 : i32
    %c0_i32_0 = arith.constant 0 : i32
    %c0_i32_1 = arith.constant 0 : i32
    return %c0_i32, %c0_i32_0 : i32, i32
  }
  func.func @transform_5(%arg0: i32) -> (i32, i32) {
    %c0_i32 = arith.constant 0 : i32
    %c0_i32_0 = arith.constant 0 : i32
    %c0_i32_1 = arith.constant 0 : i32
    return %c0_i32, %c0_i32_0 : i32, i32
  }
  func.func @transform_6(%arg0: i32) -> (i32, i32) {
    %c0_i32 = arith.constant 0 : i32
    %c0_i32_0 = arith.constant 0 : i32
    %c0_i32_1 = arith.constant 0 : i32
    return %c0_i32, %c0_i32_0 : i32, i32
  }
  func.func @transform_7(%arg0: i32) -> (i32, i32) {
    %c0_i32 = arith.constant 0 : i32
    %c0_i32_0 = arith.constant 0 : i32
    %c0_i32_1 = arith.constant 0 : i32
    return %c0_i32, %c0_i32_0 : i32, i32
  }
  func.func @transform_8(%arg0: i32) -> (i32, i32) {
    %c0_i32 = arith.constant 0 : i32
    %c0_i32_0 = arith.constant 0 : i32
    %c0_i32_1 = arith.constant 0 : i32
    return %c0_i32, %c0_i32_0 : i32, i32
  }
  func.func @transform_9(%arg0: i32) -> (i32, i32) {
    %c0_i32 = arith.constant 0 : i32
    %c0_i32_0 = arith.constant 0 : i32
    %c0_i32_1 = arith.constant 0 : i32
    return %c0_i32, %c0_i32_0 : i32, i32
  }
  func.func @transform_10(%arg0: i32) -> (i32, i32) {
    %c0_i32 = arith.constant 0 : i32
    %c0_i32_0 = arith.constant 0 : i32
    return %arg0, %c0_i32 : i32, i32
  }
}

</mosaic_0001>

<sc_bundles>
// kernel: kernel.4.cloned.1.call-start
scs
__scs_entry_jumppad:
0x0: {  	(pc) =	sbr.rel $0x88, $3  }
0x1: {  	(tag) =	ssettag $0x0;
	lr =	simm.s32 $0x1  }
0x2: {  	[smem:$0x3F94] =	sst lr;
	_ =	strace $0xD0000000  }
0x3: {  	_ = 	snop  }
0x4: {  	_ = 	snop  }
0x5: {  	_ = 	snop  }
0x6: {  	_ = 	snop  }
0x7: {  	_ = 	snop  }
__scs_overlays_trampoline_lowered:
0x8: {  	[smem:$0x3FA3] =	sst s0  }
0x9: {  	[smem:$0x3FA4] =	sst s1  }
0xa: {  	[smem:$0x3FA5] =	sst s2  }
0xb: {  	[smem:$0x3FA6] =	sst s3  }
0xc: {  	[smem:$0x3FA7] =	sst s4  }
0xd: {  	[smem:$0x3FA8] =	sst s5  }
0xe: {  	[smem:$0x3FA9] =	sst s6  }
0xf: {  	[smem:$0x3FAA] =	sst s7  }
0x10: {  	[smem:$0x3FAB] =	sst s8  }
0x11: {  	[smem:$0x3FAC] =	sst s9;
	s0 =	simm.s32 @!p0 $0x0  }
0x12: {  	s1 =	sld [smem:$0x3F92];
	s0 =	simm.s32 @p0 $0x1  }
0x13: {  	[smem:$0x3FAD] =	sst s0;
	s0 =	simm.s32 @!p1 $0x0  }
0x14: {  	s2 =	sld [smem:$0x3F91];
	s0 =	simm.s32 @p1 $0x1  }
0x15: {  	[smem:$0x3FAE] =	sst s0;
	s0 =	simm.s32 @!p2 $0x0  }
0x16: {  	s3 =	sld [smem:$0x3FDB];
	s0 =	simm.s32 @p2 $0x1  }
0x17: {  	s4 =	simm.s32 $0x1BF5;
	[smem:$0x3FB0] =	sst s0  }
0x18: {  	s0 =	sld [smem:$0x3F93];
	_ =	swait.ge [sflag:s4], $0x0  }
0x19: {  	s7 =	sld [smem:$0x3F94]  }
0x1a: {  	s8 =	sadd.s32 $0xFFFFE003, lr  }
0x1b: {  	s9 =	sadd.s32 $0xFFFFFEF7, lr;
	s5 =	simm.s32 $0xFFFFFFFF;
	p2 =	slt.u32 s8, $0xFFFFF086  }
0x1c: {  	p1 =	slt.u32 s9, $0xF7A;
	s5 =	simm.s32 @!p2 $0x0  }
0x1d: {  	s5 =	simm.s32 @p1 $0x1;
	p0 =	seq.s32 s7, s2  }
0x1e: {  	s7 =	smul.u32 @!p0 $0xF7A, s2;
	p2 =	seq.s32 @!p0 s5, $0x0  }
0x1f: {  	s9 =	smul.u32 $0xF7A, s1;
	s8 =	simm.s32 @!p0 $0x1BF5;
	p2 =	por !p2, p0  }
0x20: {  	[sflag:s8] =	ssyncset.s32 @!p0 $0xFFFFF086;
	s6 =	sadd.s32 @!p0 s3, s7;
	s7 =	simm.s32 @!p0 $0x108  }
0x21: {  	s3 =	sadd.s32 s3, s9;
	s6 =	sadd.s32 @!p0 $0x88, s6;
	s7 =	simm.s32 @p2 $0x1082  }
0x22: {  	[simem:s7], [sflag:s8] =	dma.local @!p0 [hbm:s6], $0xF7A  }
0x23: {  	s9 =	sor.u32 $0xD0000000, s2;
	s6 =	simm.s32 $0x108;
	_ =	swait.ge @!p0 [sflag:s8], $0x0  }
0x24: {  	s3 =	sadd.s32 $0x88, s3;
	s6 =	simm.s32 @!p1 $0x1082;
	[sflag:s4] =	ssyncset.s32 $0xFFFFF086  }
0x25: {  	[simem:s6], [sflag:s4] =	dma.local [hbm:s3], $0xF7A  }
0x26: {  	[smem:$0x3F94] =	sst s1;
	(tag) =	ssettag s2;
	_ =	strace s9  }
0x27: {  	s1 =	sld [smem:$0x3FA4]  }
0x28: {  	s2 =	sld [smem:$0x3FA5]  }
0x29: {  	s4 =	sld [smem:$0x3FA7]  }
0x2a: {  	p0 =	seq.s32 s5, $0x0;
	s5 =	sld [smem:$0x3FA8]  }
0x2b: {  	s6 =	sld [smem:$0x3FA9]  }
0x2c: {  	s7 =	sld [smem:$0x3FAA]  }
0x2d: {  	s3 =	simm.s32 $0x108;
	s8 =	sld [smem:$0x3FAB]  }
0x2e: {  	s3 =	simm.s32 @!p0 $0x1082;
	s9 =	sld [smem:$0x3FAC]  }
0x2f: {  	lr =	sadd.s32 s0, s3;
	s0 =	sld [smem:$0x3FA3]  }
0x30: {  	s3 =	sld [smem:$0x3FA6]  }
0x31: {  	[smem:$0x3FAF] =	sst s10  }
0x32: {  	s10 =	sld [smem:$0x3FAD];
	_ =	sdelay $0x3  }
0x33: {  	p0 =	seq.s32 s10, $0x1;
	s10 =	sld [smem:$0x3FAF];
	_ =	sdelay $0x3  }
0x34: {  	[smem:$0x3FAF] =	sst s10  }
0x35: {  	s10 =	sld [smem:$0x3FAE];
	_ =	sdelay $0x3  }
0x36: {  	p1 =	seq.s32 s10, $0x1;
	s10 =	sld [smem:$0x3FAF];
	_ =	sdelay $0x3  }
0x37: {  	[smem:$0x3FAF] =	sst s10  }
0x38: {  	s10 =	sld [smem:$0x3FB0]  }
0x39: {  	_ = 	snop;
	(pc) =	sbr.ind lr, $3  }
0x3a: {  	_ = 	snop  }
0x3b: {  	_ = 	snop  }
0x3c: {  	p2 =	seq.s32 s10, $0x1;
	s10 =	sld [smem:$0x3FAF]  }
0x3d: {  	_ =	shalt  }
0x3e: {  	_ =	shalt  }
0x3f: {  	_ =	shalt  }
0x40: {  	_ =	shalt  }
0x41: {  	_ =	shalt  }
0x42: {  	_ =	shalt  }
0x43: {  	_ =	shalt  }
0x44: {  	_ =	shalt  }
0x45: {  	_ =	shalt  }
0x46: {  	_ =	shalt  }
0x47: {  	_ =	shalt  }
0x48: {  	_ =	shalt  }
0x49: {  	_ =	shalt  }
0x4a: {  	_ =	shalt  }
0x4b: {  	_ =	shalt  }
0x4c: {  	_ =	shalt  }
0x4d: {  	_ =	shalt  }
0x4e: {  	_ =	shalt  }
0x4f: {  	_ =	shalt  }
0x50: {  	_ =	shalt  }
0x51: {  	_ =	shalt  }
0x52: {  	_ =	shalt  }
0x53: {  	_ =	shalt  }
0x54: {  	_ =	shalt  }
0x55: {  	_ =	shalt  }
0x56: {  	_ =	shalt  }
0x57: {  	_ =	shalt  }
0x58: {  	_ =	shalt  }
0x59: {  	_ =	shalt  }
0x5a: {  	_ =	shalt  }
0x5b: {  	_ =	shalt  }
0x5c: {  	_ =	shalt  }
0x5d: {  	_ =	shalt  }
0x5e: {  	_ =	shalt  }
0x5f: {  	_ =	shalt  }
0x60: {  	_ =	shalt  }
0x61: {  	_ =	shalt  }
0x62: {  	_ =	shalt  }
0x63: {  	_ =	shalt  }
0x64: {  	_ =	shalt  }
0x65: {  	_ =	shalt  }
0x66: {  	_ =	shalt  }
0x67: {  	_ =	shalt  }
0x68: {  	_ =	shalt  }
0x69: {  	_ =	shalt  }
0x6a: {  	_ =	shalt  }
0x6b: {  	_ =	shalt  }
0x6c: {  	_ =	shalt  }
0x6d: {  	_ =	shalt  }
0x6e: {  	_ =	shalt  }
0x6f: {  	_ =	shalt  }
0x70: {  	_ =	shalt  }
0x71: {  	_ =	shalt  }
0x72: {  	_ =	shalt  }
0x73: {  	_ =	shalt  }
0x74: {  	_ =	shalt  }
0x75: {  	_ =	shalt  }
0x76: {  	_ =	shalt  }
0x77: {  	_ =	shalt  }
0x78: {  	_ =	shalt  }
0x79: {  	_ =	shalt  }
0x7a: {  	_ =	shalt  }
0x7b: {  	_ =	shalt  }
0x7c: {  	_ =	shalt  }
0x7d: {  	_ =	shalt  }
0x7e: {  	_ =	shalt  }
0x7f: {  	_ =	shalt  }
0x80: {  	_ =	shalt  }
0x81: {  	_ =	shalt  }
0x82: {  	_ =	shalt  }
0x83: {  	_ =	shalt  }
0x84: {  	_ =	shalt  }
0x85: {  	_ =	shalt  }
0x86: {  	_ =	shalt  }
0x87: {  	_ =	shalt  }
.Lfunc_end0:
.L_simem_size_0:
called_computation.1_lowered:
.L_overlay_start_0:
0x88: {  	s2 =	sld [smem:$0x3FD9]  }
0x89: {  	s3 =	sld [smem:$0x3FFE];
	_ =	sdelay $0x1  }
0x8a: {  	s1 =	srdreg.scid  }
0x8b: {  	s0 =	sand.u32 $0x1, s1  }
0x8c: {  	s16 =	sshll.u32 s0, $0xA;
	s2 =	sadd.s32 s3, s2  }
0x8d: {  	s2 =	sadd.s32 s2, s16  }
0x8e: {  	[smem:$0x3FBB] =	sst s2  }
0x8f: {  	_ = 	snop  }
0x90: {  	(tm) =	ssettm $0x1  }
0x91: {  	s17 =	sld [smem:$0x3FFB];
	_ =	sdelay $0x3  }
0x92: {  	_ =	strace s17  }
0x93: {  	s2 =	sld [smem:$0x3FFC];
	_ =	sdelay $0x3  }
0x94: {  	_ =	strace s2  }
0x95: {  	s2 =	sld [smem:$0x3FFD];
	_ =	sdelay $0x3  }
0x96: {  	_ =	strace s2  }
0x97: {  	_ =	strace $0x8FFFFFFF  }
0x98: {  	s18 =	sld [smem:$0x3FDB];
	_ =	sdelay $0x1  }
0x99: {  	s19 =	simm.s32 $_scs_section_size  }
0x9a: {  	s4 =	simm.s32 $_size__tile_overlayer_lowered;
	s5 =	simm.s32 $_tile_overlayer_lowered  }
0x9b: {  	s22 =	simm.s32 $0x1BFF;
	s21 =	sshll.u32 s5, $0x1;
	s2 =	sadd.s32 s19, s18  }
0x9c: {  	s6 =	simm.s32 $0x0;
	s20 =	sshll.u32 s4, $0x1;
	s4 =	sadd.s32 s21, s2  }
0x9d: {  	[timem:s6], [sflag:s22] =	dma.local [hbm:s4], s20  }
0x9e: {  	_ =	swait.ge [sflag:s22], s20  }
0x9f: {  	s3 =	ssub.s32 $0x0, s20;
	[sflag:s22] =	ssyncset.done $0x0  }
0xa0: {  	[sflag:s22] =	ssyncadd.s32 s3;
	_ =	sdelay $0x1  }
0xa1: {  	s23 =	simm.s32 $0x1B8B  }
0xa2: {  	_ =	swait.ge [sflag:s23], $0x1  }
0xa3: {  	[sflag:s23] =	ssyncset.done $0x0  }
0xa4: {  	s25 =	simm.s32 $0x1B8E;
	s24 =	sld [smem:$0x3FFE];
	[sflag:s23] =	ssyncadd.s32 $0xFFFFFFFF  }
0xa5: {  	s26 =	simm.s32 $execute0_lowered;
	[smem:$0x3FD2] =	sst s25  }
0xa6: {  	s4 =	sshll.u32 s26, $0x1;
	_ =	strace $0x80000046;
	[dreg:$0x1] =	wrdreg $0xFFFFFFFF  }
0xa7: {  	s28 =	simm.s32 $_size_execute0_lowered;
	s2 =	sadd.s32 s2, s4;
	[dreg:$0x0] =	wrdreg $0x0  }
0xa8: {  	s4 =	sshll.u32 s28, $0x1;
	[dreg:$0x2] =	wrdreg s2  }
0xa9: {  	[dreg:$0x3] =	wrdreg s4  }
0xaa: {  	[dreg:$0x4] =	wrdreg $0xC0  }
0xab: {  	_ =	task [dreg:s6], $0x5FFFF  }
0xac: {  	[dreg:$0x1] =	wrdreg $0xFFFFFFFF  }
0xad: {  	[dreg:$0x0] =	wrdreg $0x60  }
0xae: {  	[dreg:$0x2] =	wrdreg s24  }
0xaf: {  	[dreg:$0x3] =	wrdreg $0x9  }
0xb0: {  	_ =	task.clear_ibuf [dreg:s6], $0x4FFFF;
	_ =	strace $0x90000046  }
0xb1: {  	s29 =	simm.s32 $0x9;
	_ =	strace $0x80000048  }
0xb2: {  	_ =	swait.ge [sflag:s29], $0x1  }
0xb3: {  	[sflag:s29] =	ssyncadd.s32 $0xFFFFFFFF  }
0xb4: {  	_ =	strace $0x90000048  }
0xb5: {  	_ =	sfence  }
0xb6: {  	s30 =	sld [smem:$0x0];
	_ =	sdelay $0x2  }
0xb7: {  	s31 =	sshll.u32 s1, $0xD;
	s1 =	sshrl.u32 s1, $0x2  }
0xb8: {  	s3 =	sand.u32 $0x4000, s31;
	s1 =	sadd.s32 s1, s30  }
0xb9: {  	s0 =	sor.u32 s3, s0;
	s1 =	sshll.u32 s1, $0x11  }
0xba: {  	s0 =	sor.u32 s1, s0  }
0xbb: {  	s0 =	sadd.s32 $0x8F2B, s0  }
0xbc: {  	[sflag:s0] =	ssyncadd.remote.s32 $0x1  }
0xbd: {  	_ =	sfence.sel $0xFFFF  }
0xbe: {  	[dreg:$0x0] =	wrdreg $0xFFFFFFFF;
	(pc) =	sbr.abs _section_cstart, $3  }
0xbf: {  	[dreg:$0x1] =	wrdreg $0xFFFFFFFF  }
0xc0: {  	_ =	task.clear_ibuf [dreg:s6], $0x2FFFF;
	_ =	strace $0x9FFFFFFF  }
0xc1: {  	(tm) =	ssettm $0x7FFFFFFF  }
tec
execute0_lowered:
.L_overlay_start_1:
0x0: {  	(tag) =	ssettag $0x1  }
0x1: {  	s4 =	rddreg [dreg:$0x0]  }
0x2: {  	s0 =	rddreg [dreg:$0x1];
	s2 =	simm.s32 $0x0;
	s1 =	stileid.u32  }
0x3: {  	s3 =	srdreg.scid;
	s10 =	simm.s32 $0x0;
	s6 =	smul.u32 $0xC800, s1  }
0x4: {  	[smem:$0x7FF] =	sst s2;
	s5 =	sand.u32 $0x1, s3;
	s8 =	smul.u32 $0x32000, s1  }
0x5: {  	s3 =	sadd.s32 $0xF44A00, s4;
	s7 =	smul.u32 $0x6400, s5;
	s9 =	ssub.s32 $0x2, s5  }
0x6: {  	_ =	strace $0x80000047;
	s5 =	smul.u32 $0x19000, s5;
	s31 =	sshrl.u32 s9, $0x1  }
0x7: {  	s8 =	sadd.s32 s8, s4;
	s6 =	sadd.s32 s7, s6;
	s7 =	ssub.s32 s9, s31  }
0x8: {  	s5 =	sadd.s32 s5, s8;
	s8 =	simm.s32 $0x80;
	s6 =	sshrl.u32 s6, $0x3  }
0x9: {  	s9 =	simm.s32 $0x1;
	s5 =	sadd.s32 $0x1B600, s5;
	s6 =	sadd.s32 s6, s4  }
0xa: {  	s4 =	smax.u32 s7, $0x1;
	s7 =	simm.s32 $0x2;
	s6 =	sadd.s32 $0x2600, s6  }
.LBB2_1:
0xb: {  	s11 =	sadd.s32 $0x0, s6  }
0xc: {  	[tilespmem:s2], [sflag:$0x2] =	stream.linear.gather [hbm4b:s11+s2], $0x80, $0x38;
	[tilespmem:$0x1080] =	vst v63  }
0xd: {  	_ =	swait.ge [sflag:s7], $0x80  }
0xe: {  	[sflag:s7] =	ssyncset.done $0x0  }
0xf: {  	[sflag:s7] =	ssyncadd.s32 $0xFFFFFF80  }
0x10: {  	[tilespmem:s8], [sflag:$0x1] =	stream.indirect.gather [hbm4b:s3+s8], $0x20, s2, s8, $0xb8;
	[tilespmem:$0x1080] =	vst v63  }
0x11: {  	_ =	swait.ge [sflag:s9], $0x1000  }
0x12: {  	[sflag:s9] =	ssyncset.done $0x0  }
0x13: {  	[sflag:s9] =	ssyncadd.s32 $0xFFFFF000  }
0x14: {  	[hbm4b:s5+s2] =	stream.linear.scatter [tilespmem:s8], [sflag:$0x2], $0x1000, $0x38;
	[tilespmem:$0x1080] =	vst v63  }
0x15: {  	s12 =	simm.s32 $0x10;
	_ =	swait.ge [sflag:s7], $0x1000  }
0x16: {  	s13 =	simm.s32 $0x20;
	s11 =	sadd.s32 $0x200, s5;
	[sflag:s7] =	ssyncset.done $0x0  }
.LBB2_2:
0x17: {  	s14 =	sadd.s32 s12, s6  }
0x18: {  	[sflag:s7] =	ssyncadd.s32 $0xFFFFF000;
	s12 =	smov.u32 s13;
	s15 =	sadd.s32 $0x10, s13  }
0x19: {  	[tilespmem:s2], [sflag:$0x2] =	stream.linear.gather [hbm4b:s14+s2], $0x80, $0x38;
	[tilespmem:$0x1080] =	vst v63  }
0x1a: {  	p0 =	sne.s32 s13, $0xC70;
	_ =	swait.ge [sflag:s7], $0x80  }
0x1b: {  	[sflag:s7] =	ssyncset.done $0x0  }
0x1c: {  	[sflag:s7] =	ssyncadd.s32 $0xFFFFFF80  }
0x1d: {  	[tilespmem:s8], [sflag:$0x1] =	stream.indirect.gather [hbm4b:s3+s8], $0x20, s2, s8, $0xb8;
	[tilespmem:$0x1080] =	vst v63  }
0x1e: {  	_ =	swait.ge [sflag:s9], $0x1000  }
.Ltmp0:
0x1f: {  	[sflag:s9] =	ssyncset.done $0x0;
	(pc) =	sbr.rel @p0 .LBB2_2-.Ltmp0, $4  }
0x20: {  	[sflag:s9] =	ssyncadd.s32 $0xFFFFF000  }
0x21: {  	[hbm4b:s11+s2] =	stream.linear.scatter [tilespmem:s8], [sflag:$0x2], $0x1000, $0x38;
	[tilespmem:$0x1080] =	vst v63  }
0x22: {  	_ =	swait.ge [sflag:s7], $0x1000  }
0x23: {  	s13 =	smov.u32 s15;
	s11 =	sadd.s32 $0x200, s11;
	[sflag:s7] =	ssyncset.done $0x0  }
0x24: {  	s12 =	sadd.s32 s12, s6;
	[sflag:s7] =	ssyncadd.s32 $0xFFFFF000  }
0x25: {  	[tilespmem:s2], [sflag:$0x2] =	stream.linear.gather [hbm4b:s12+s2], $0x80, $0x38;
	[tilespmem:$0x1080] =	vst v63  }
0x26: {  	_ =	swait.ge [sflag:s7], $0x80  }
0x27: {  	[sflag:s7] =	ssyncset.done $0x0  }
0x28: {  	[sflag:s7] =	ssyncadd.s32 $0xFFFFFF80  }
0x29: {  	[tilespmem:s8], [sflag:$0x1] =	stream.indirect.gather [hbm4b:s3+s8], $0x20, s2, s8, $0xb8;
	[tilespmem:$0x1080] =	vst v63  }
0x2a: {  	s10 =	sadd.s32 $0x1, s10;
	_ =	swait.ge [sflag:s9], $0x1000  }
0x2b: {  	p0 =	sne.s32 s10, s4;
	[sflag:s9] =	ssyncset.done $0x0  }
.Ltmp1:
0x2c: {  	[sflag:s9] =	ssyncadd.s32 $0xFFFFF000;
	(pc) =	sbr.rel @p0 .LBB2_1-.Ltmp1, $4  }
0x2d: {  	[hbm4b:s11+s2] =	stream.linear.scatter [tilespmem:s8], [sflag:$0x2], $0x1000, $0x38;
	[tilespmem:$0x1080] =	vst v63  }
0x2e: {  	_ =	swait.ge [sflag:s7], $0x1000  }
0x2f: {  	[sflag:s7] =	ssyncset.done $0x0  }
0x30: {  	[sflag:s7] =	ssyncadd.s32 $0xFFFFF000  }
0x31: {  	_ =	sfence.sel $0x180000  }
0x32: {  	[bflag:$0x0] =	sbarrier.arrive $0xFFFF  }
0x33: {  	p0 =	sne.s32 s1, $0x0;
	_ =	strace $0x90000047  }
0x34: {  	s0 =	sadd.s32 @!p0 $0x100000, s0;
	[bflag:$0x2] =	sbarrier.arrive $0xFFFF  }
0x35: {  	[sflag:s0] =	ssyncadd.tile.s32 @!p0 $0x1;
	_ =	shalt  }
.Lfunc_end2:
_tile_overlayer_lowered:
.L_overlay_start_2:
0x36: {  	(tag) =	ssettag $0x2  }
0x37: {  	s0 =	rddreg [dreg:$0x0];
	s2 =	stileid.u32  }
0x38: {  	s1 =	rddreg [dreg:$0x1];
	p0 =	sne.s32 s2, $0x0  }
0x39: {  	s3 =	rddreg [dreg:$0x2];
	[bflag:$0x3] =	sbarrier.arrive $0xFFFF;
	s2 =	simm.s32 @!p0 $0x1C02  }
0x3a: {  	[timem:s3], [sflag:s2] =	dma.local @!p0 [hbm:s0], s1  }
0x3b: {  	s0 =	simm.s32 @!p0 $0x2  }
0x3c: {  	_ =	swait.ge @!p0 [sflag:s0], s1  }
0x3d: {  	s1 =	ssub.s32 @!p0 $0x0, s1;
	[sflag:s0] =	ssyncset.done @!p0 $0x0  }
0x3e: {  	[sflag:s0] =	ssyncadd.s32 @!p0 s1  }
0x3f: {  	[bflag:$0x3] =	sbarrier.arrive $0xFFFF  }
0x40: {  	_ =	shalt  }

// kernel: sparse-core-data-format-call.cloned.1.call-start
scs
called_computation_lowered:
.L_overlay_start_0:
0x0: {  	s2 =	sld [smem:$0x3FD9]  }
0x1: {  	s3 =	sld [smem:$0x3FFE];
	_ =	sdelay $0x1  }
0x2: {  	s1 =	srdreg.scid  }
0x3: {  	s0 =	sand.u32 $0x1, s1  }
0x4: {  	s18 =	sshll.u32 s0, $0xA;
	s2 =	sadd.s32 s3, s2  }
0x5: {  	s2 =	sadd.s32 s2, s18  }
0x6: {  	[smem:$0x3FBB] =	sst s2  }
0x7: {  	_ = 	snop  }
0x8: {  	s2 =	sld [smem:$0x3FD0];
	(tm) =	ssettm $0x1  }
0x9: {  	s19 =	sld [smem:$0x3FFB];
	_ =	sdelay $0x3  }
0xa: {  	_ =	strace s19  }
0xb: {  	s3 =	sld [smem:$0x3FFC];
	_ =	sdelay $0x3  }
0xc: {  	_ =	strace s3  }
0xd: {  	s3 =	sld [smem:$0x3FFD];
	_ =	sdelay $0x3  }
0xe: {  	_ =	strace s3  }
0xf: {  	_ =	strace $0x8FFFFFFF  }
0x10: {  	s20 =	sld [smem:$0x3FDB];
	_ =	sdelay $0x1  }
0x11: {  	s4 =	simm.s32 $_scs_section_size  }
0x12: {  	s5 =	simm.s32 $_size__tile_overlayer_lowered;
	s6 =	simm.s32 $_tile_overlayer_lowered  }
0x13: {  	s23 =	simm.s32 $0x1BFF;
	s22 =	sshll.u32 s6, $0x1;
	s3 =	sadd.s32 s4, s20  }
0x14: {  	s7 =	simm.s32 $0x0;
	s21 =	sshll.u32 s5, $0x1;
	s5 =	sadd.s32 s22, s3  }
0x15: {  	[timem:s7], [sflag:s23] =	dma.local [hbm:s5], s21  }
0x16: {  	_ =	swait.ge [sflag:s23], s21  }
0x17: {  	s4 =	ssub.s32 $0x0, s21;
	[sflag:s23] =	ssyncset.done $0x0  }
0x18: {  	[sflag:s23] =	ssyncadd.s32 s4;
	_ =	sdelay $0x1  }
0x19: {  	s24 =	simm.s32 $0x1B8B  }
0x1a: {  	_ =	swait.ge [sflag:s24], $0x1  }
0x1b: {  	[sflag:s24] =	ssyncset.done $0x0  }
0x1c: {  	s26 =	simm.s32 $0x1B8E;
	s25 =	sld [smem:$0x3FFE];
	[sflag:s24] =	ssyncadd.s32 $0xFFFFFFFF  }
0x1d: {  	s27 =	simm.s32 $execute0_lowered;
	[smem:$0x3FD2] =	sst s26  }
0x1e: {  	s5 =	sshll.u32 s27, $0x1;
	_ =	strace $0x80000049;
	[dreg:$0x1] =	wrdreg $0xFFFFFFFF  }
0x1f: {  	s28 =	simm.s32 $_size_execute0_lowered;
	s3 =	sadd.s32 s3, s5;
	[dreg:$0x0] =	wrdreg $0x0  }
0x20: {  	s5 =	sshll.u32 s28, $0x1;
	[dreg:$0x2] =	wrdreg s3  }
0x21: {  	[dreg:$0x3] =	wrdreg s5  }
0x22: {  	[dreg:$0x4] =	wrdreg $0xC0  }
0x23: {  	_ =	task [dreg:s7], $0x5FFFF  }
0x24: {  	[dreg:$0x1] =	wrdreg $0xFFFFFFFF  }
0x25: {  	[dreg:$0x0] =	wrdreg $0x60  }
0x26: {  	[dreg:$0x2] =	wrdreg s25  }
0x27: {  	[dreg:$0x3] =	wrdreg s2  }
0x28: {  	[dreg:$0x4] =	wrdreg $0x9  }
0x29: {  	_ =	task.clear_ibuf [dreg:s7], $0x5FFFF;
	_ =	strace $0x90000049  }
0x2a: {  	s29 =	simm.s32 $0x9;
	_ =	strace $0x8000004B  }
0x2b: {  	_ =	swait.ge [sflag:s29], $0x1  }
0x2c: {  	[sflag:s29] =	ssyncadd.s32 $0xFFFFFFFF  }
0x2d: {  	_ =	strace $0x9000004B  }
0x2e: {  	_ =	sfence  }
0x2f: {  	s30 =	sld [smem:$0x0];
	_ =	sdelay $0x2  }
0x30: {  	s31 =	sshll.u32 s1, $0xD;
	s1 =	sshrl.u32 s1, $0x2  }
0x31: {  	s3 =	sand.u32 $0x4000, s31;
	s1 =	sadd.s32 s1, s30  }
0x32: {  	s0 =	sor.u32 s3, s0;
	s1 =	sshll.u32 s1, $0x11  }
0x33: {  	s0 =	sor.u32 s1, s0  }
0x34: {  	s0 =	sadd.s32 $0x8F2B, s0  }
0x35: {  	[sflag:s0] =	ssyncadd.remote.s32 $0x1  }
0x36: {  	_ =	sfence.sel $0xFFFF  }
0x37: {  	[dreg:$0x0] =	wrdreg $0xFFFFFFFF;
	(pc) =	sbr.abs _section_cstart, $3  }
0x38: {  	[dreg:$0x1] =	wrdreg $0xFFFFFFFF  }
0x39: {  	_ =	task.clear_ibuf [dreg:s7], $0x2FFFF;
	_ =	strace $0x9FFFFFFF  }
0x3a: {  	(tm) =	ssettm $0x7FFFFFFF  }
0x3b: {  	_ =	shalt  }
tec
execute0_lowered:
.L_overlay_start_1:
0x0: {  	(tag) =	ssettag $0x1  }
0x1: {  	s0 =	srdreg.scid  }
0x2: {  	s1 =	sshll.u32 s0, $0x4  }
0x3: {  	s0 =	stileid.u32;
	s1 =	sand.u32 $0x10, s1  }
0x4: {  	s1 =	sor.u32 s0, s1  }
0x5: {  	s6 =	rddreg [dreg:$0x0];
	s4 =	simm.s32 $0x1;
	s2 =	sshll.u32 s1, $0x7  }
0x6: {  	s7 =	simm.s32 $0x2;
	s12 =	simm.s32 $0x0;
	s1 =	ssub.s32 $0x1000, s2  }
0x7: {  	s8 =	simm.s32 $0x8000;
	s13 =	simm.s32 $0x0;
	s3 =	sand.u32 $0xF80, s1  }
0x8: {  	s9 =	simm.s32 $0x0;
	s5 =	sshrl.u32 s1, $0xC;
	p0 =	sne.s32 s3, $0x0  }
.Ltmp0:
0x9: {  	s1 =	rddreg [dreg:$0x2];
	s4 =	simm.s32 @!p0 $0x0;
	(pc) =	sbr.rel .LBB1_1-.Ltmp0, $4  }
0xa: {  	s11 =	simm.s32 $0x0;
	s3 =	rddreg [dreg:$0x1];
	s5 =	sadd.s32 s4, s5  }
0xb: {  	_ =	strace $0x8000004A;
	s4 =	simm.s32 $0x1;
	s5 =	smul.u32 $0xC8, s5  }
0xc: {  	s6 =	sadd.s32 $0x2600, s6;
	s10 =	smov.u32 s2;
	[sflag:s4] =	ssyncpa.u1 $0x0  }
0xd: {  	p0 =	por $0x0, $0x0;
	[sflag:s7] =	ssyncpa.u1 $0x0;
	s7 =	sor.u32 $0x1, s5  }
.LBB1_4:
0xe: {  	s16 =	sshll.u32 s13, $0x3;
	s17 =	sand.u32 $0x78, s13  }
0xf: {  	s30 =	sand.u32 $0x3E00, s13;
	s12 =	sshll.u32 s12, $0xE;
	s16 =	sand.u32 $0xC00, s16  }
0x10: {  	s31 =	sand.u32 $0x7, s13;
	s16 =	sor.u32 s17, s16;
	s17 =	sadd.s32 s3, s30  }
0x11: {  	s13 =	sshll.u32 s31, $0x12;
	s16 =	sshrl.u32 s16, $0x3;
	s12 =	sadd.s32 s12, s17  }
0x12: {  	[tilespmem:s15+$0x0 ss:$0x81] =	vst.msk $0xffff, v0;
	s13 =	sor.u32 $0x400, s13;
	s12 =	sadd.s32 s16, s12  }
0x13: {  	[hbm4b:s12+s13] =	stream.strided.scatter [tilespmem:s14], [sflag:$0x2], $0x1000, s8, s13, $0x20;
	[tilespmem:$0x4040] =	vst v63  }
.LBB1_5:
0x14: {  	s14 =	sadd.s32 $0x1, s9  }
0x15: {  	s12 =	sadd.s32 $0x1000, s10;
	s16 =	smov.u32 s10;
	p2 =	sgt.s32 s14, $0xC7  }
0x16: {  	s16 =	smov.u32 @p2 s12  }
0x17: {  	s14 =	simm.s32 @p2 $0x0;
	p2 =	sgt.s32 s16, $0xFFF  }
0x18: {  	s16 =	smov.u32 @p2 s2;
	p2 =	sne.s32 s11, s7  }
.Ltmp1:
0x19: {  	p1 =	slt.u32 s11, $0x2;
	(pc) =	sbr.rel @!p2 .LBB1_6-.Ltmp1, $4  }
0x1a: {  	s15 =	simm.s32 @!p1 $0x2  }
0x1b: {  	s13 =	smov.u32 s10;
	p0 =	por !p0, !p0;
	_ =	swait.ge @!p1 [sflag:s15], $0x1000  }
0x1c: {  	s12 =	smov.u32 s9;
	[sflag:s15] =	ssyncset.done @!p1 $0x0;
	s9 =	smov.u32 s14  }
0x1d: {  	s11 =	sadd.s32 $0x1, s11;
	[sflag:s15] =	ssyncadd.s32 @!p1 $0xFFFFF000;
	s10 =	smov.u32 s16  }
.LBB1_1:
0x1e: {  	p1 =	sge.u32 s11, s5  }
0x1f: {  	s14 =	sand.u32 @!p1 $0x1FFFFFF, s9  }
0x20: {  	s15 =	smulhi.u32 @!p1 $0x147AE15, s14;
	_ =	sdelay $0x1  }
0x21: {  	s15 =	smul.u32 @!p1 $0xC8, s15  }
0x22: {  	s16 =	sxor.u32 @!p1 $0xFFFFFFFF, s11;
	s17 =	smul.u32 @!p1 $0xC80, s10  }
0x23: {  	s31 =	sadd.s32 $0xFFFFFFFF, s11;
	s16 =	sshll.u32 @!p1 s16, $0xC;
	s14 =	ssub.s32 @!p1 s14, s15  }
0x24: {  	s15 =	sand.u32 @!p1 $0x1000, s16;
	s16 =	sadd.s32 @!p1 s6, s17;
	s14 =	sshll.u32 @!p1 s14, $0x4  }
0x25: {  	s17 =	simm.s32 @!p1 $0x6400;
	s14 =	sadd.s32 @!p1 s14, s16;
	s16 =	simm.s32 @!p1 $0x20  }
0x26: {  	[tilespmem:s15], [sflag:$0x1] =	stream.strided.gather @!p1 [hbm4b:s14+s16], $0x1000, s17, s16, $0x38;
	[tilespmem:$0x4040] =	vst v63  }
0x27: {  	p1 =	sge.u32 s31, s5  }
.Ltmp2:
0x28: {  	_ = 	snop;
	(pc) =	sbr.rel @p1 .LBB1_5-.Ltmp2, $1  }
0x29: {  	_ =	sdelay $0x3  }
0x2a: {  	s14 =	simm.s32 $0x1  }
0x2b: {  	_ =	swait.ge [sflag:s4], $0x1000;
	s14 =	simm.s32 @!p0 $0x0  }
0x2c: {  	[sflag:s4] =	ssyncset.done $0x0;
	s15 =	sshll.u32 s14, $0xC  }
0x2d: {  	[sflag:s4] =	ssyncadd.s32 $0xFFFFF000;
	s18 =	sor.u32 $0x10, s15  }
0x2e: {  	s14 =	smul.u32 $0x4080, s14;
	v1 =	vld [tilespmem:s18+$0x0]  }
0x2f: {  	s30 =	sand.u32 $0x1, s11;
	v0 =	vld [tilespmem:s18+$0xFFFFFFF0]  }
0x30: {  	s15 =	smul.u32 $0x4080, s30;
	s14 =	sshrl.u32 s14, $0x2  }
0x31: {  	s16 =	sor.u32 $0x2000, s14  }
0x32: {  	s31 =	sshrl.u32 s15, $0x2;
	s15 =	sadd.s32 $0x0, s16  }
0x33: {  	s17 =	simm.s32 $0x4;
	s18 =	sadd.s32 $0x20, s18;
	s14 =	sor.u32 $0x2000, s31;
	[tilespmem:s15+$0x810 ss:$0x81] =	vst.msk $0xffff, v1  }
.LBB1_3:
0x34: {  	v1 =	vld [tilespmem:s18+$0x0];
	p1 =	sne.s32 s17, $0x1FC;
	[tilespmem:s15+$0x0 ss:$0x81] =	vst.msk $0xffff, v0;
	s15 =	smov.u32 s17;
	s17 =	sadd.s32 $0x4, s17  }
.Ltmp3:
0x35: {  	v0 =	vld [tilespmem:s18+$0xFFFFFFF0];
	(pc) =	sbr.rel @p1 .LBB1_3-.Ltmp3, $4  }
0x36: {  	_ = 	snop  }
0x37: {  	s15 =	sshra.s32 s15, $0x2  }
0x38: {  	s15 =	sadd.s32 s15, s16  }
0x39: {  	s18 =	sadd.s32 $0x20, s18;
	[tilespmem:s15+$0x810 ss:$0x81] =	vst.msk $0xffff, v1  }
.Ltmp4:
0x3a: {  	_ = 	snop;
	(pc) =	sbr.rel .LBB1_4-.Ltmp4, $1  }
0x3b: {  	_ =	sdelay $0x3  }
.LBB1_6:
0x3c: {  	_ =	sfence.sel $0x180000  }
0x3d: {  	s2 =	simm.s32 $0x1;
	[bflag:$0x0] =	sbarrier.arrive $0xFFFF  }
0x3e: {  	s31 =	simm.s32 $0x2;
	[sflag:s2] =	ssyncpa.u1 $0x1  }
0x3f: {  	[sflag:s31] =	ssyncpa.u1 $0x1  }
0x40: {  	p0 =	sne.s32 s0, $0x0;
	_ =	strace $0x9000004A  }
0x41: {  	s0 =	sadd.s32 @!p0 $0x100000, s1;
	[bflag:$0x2] =	sbarrier.arrive $0xFFFF  }
0x42: {  	[sflag:s0] =	ssyncadd.tile.s32 @!p0 $0x1;
	_ =	shalt  }
.Lfunc_end1:
_tile_overlayer_lowered:
.L_overlay_start_2:
0x43: {  	(tag) =	ssettag $0x2  }
0x44: {  	s0 =	rddreg [dreg:$0x0];
	s2 =	stileid.u32  }
0x45: {  	s1 =	rddreg [dreg:$0x1];
	p0 =	sne.s32 s2, $0x0  }
0x46: {  	s3 =	rddreg [dreg:$0x2];
	[bflag:$0x3] =	sbarrier.arrive $0xFFFF;
	s2 =	simm.s32 @!p0 $0x1C01  }
0x47: {  	[timem:s3], [sflag:s2] =	dma.local @!p0 [hbm:s0], s1  }
0x48: {  	s0 =	simm.s32 @!p0 $0x1  }
0x49: {  	_ =	swait.ge @!p0 [sflag:s0], s1  }
0x4a: {  	s1 =	ssub.s32 @!p0 $0x0, s1;
	[sflag:s0] =	ssyncset.done @!p0 $0x0  }
0x4b: {  	[sflag:s0] =	ssyncadd.s32 @!p0 s1  }
0x4c: {  	[bflag:$0x3] =	sbarrier.arrive $0xFFFF  }
0x4d: {  	_ =	shalt  }

</sc_bundles>
